<compile_context>
chip_gen: v7x
topology: tpu7x:2x2x1
jax: 0.10.2.dev20260603
libtpu: 0.0.44.dev20260713+nightly
codegen_flags: <defaults>
</compile_context>

<pallas_src>
import functools

import jax
import jax.numpy as jnp
from jax import lax
from jax.experimental import pallas as pl
from jax.experimental.pallas import tpu as pltpu
from jax.experimental.pallas import tpu_sc as plsc

_B = 16384
_F = 26
_V = 100000
_D = 16

_NC = 2
_NS = 16
_NW = _NC * _NS
_NT = _F * _D
_TPW = _NT // _NW
_PH = 4096
_NPH = _B // _PH


def _lookup_body(idx_hbm, tab_hbm, out_hbm, tabv, idxv, outv0, outv1, wsem, tsem):
    wid = lax.axis_index("s") * _NC + lax.axis_index("c")
    outv = (outv0, outv1)

    def task(k, carry):
        t = wid * _TPW + k
        f = t // _D
        d = t % _D
        cp = pltpu.make_async_copy(tab_hbm.at[f, d, :], tabv, tsem)
        cp.start()

        @pl.when((k == 0) | (d == 0))
        def _():
            pltpu.sync_copy(idx_hbm.at[f, :], idxv)

        cp.wait()
        for p in range(_NPH):
            b = p % 2
            ov = outv[b]
            p0 = p * _PH

            @pl.when((k > 0) | (p >= 2))
            def _():
                pltpu.make_async_copy(
                    ov, out_hbm.at[t, pl.ds(p0, _PH)], wsem
                ).wait()

            @plsc.parallel_loop(0, _PH, 16, unroll=8)
            def gath(i):
                ov[pl.ds(i, 16)] = plsc.load_gather(
                    tabv, [idxv[pl.ds(p0 + i, 16)]]
                )

            pltpu.async_copy(ov, out_hbm.at[t, pl.ds(p0, _PH)], wsem)
        return carry

    lax.fori_loop(0, _TPW, task, 0)
    t_last = wid * _TPW + (_TPW - 1)
    for p in range(_NPH - 2, _NPH):
        pltpu.make_async_copy(
            outv[p % 2], out_hbm.at[t_last, pl.ds(p * _PH, _PH)], wsem
        ).wait()


_lookup = functools.partial(
    pl.kernel,
    mesh=plsc.VectorSubcoreMesh(core_axis_name="c", subcore_axis_name="s"),
    out_type=jax.ShapeDtypeStruct((_NT, _B), jnp.float32),
    scratch_types=[
        pltpu.VMEM((_V,), jnp.float32),
        pltpu.VMEM((_B,), jnp.int32),
        pltpu.VMEM((_PH,), jnp.float32),
        pltpu.VMEM((_PH,), jnp.float32),
        pltpu.SemaphoreType.DMA,
        pltpu.SemaphoreType.DMA,
    ],
    compiler_params=pltpu.CompilerParams(
        use_tc_tiling_on_sc=True, needs_layout_passes=False
    ),
)(_lookup_body)


@jax.jit
def kernel(indices, tables):
    idx_t = indices.T
    tab_t = tables.transpose(0, 2, 1)
    out_t = _lookup(idx_t, tab_t)
    return out_t.T.reshape(_B, _F * _D)

# --- scband reference (transcript-rebuilt; emitter-appended) ---
"""Pipeline reference for scband-base-features-layer-4337916969001 (READ-ONLY COPY).

The authoritative reference and input builder live on the scoring server;
editing this copy changes nothing except your own understanding.
"""

import jax, jax.numpy as jnp
import numpy as np

B = 16384
F = 26
V = 100000
D = 16

def setup_inputs(seed: int = 0) -> dict:
    key = jax.random.key(seed)
    k_idx, k_tab = jax.random.split(key)
    indices = jax.random.randint(k_idx, (B, F), 0, V, dtype=jnp.int32)
    # Learned state: one embedding table per feature column, stacked into [F, V, D].
    tables = jax.random.normal(k_tab, (F, V, D), dtype=jnp.float32) * 0.01
    return {"indices": indices, "tables": tables}

def reference(indices, tables):
    # DenseFeatures semantics: for each embedding feature column f, look up
    # tables[f][indices[:, f]] -> [B, D], reshape per-column dense tensors to
    # [B, D] (_process_dense_tensor) and concat along last axis
    # (_verify_and_concat_tensors) -> [B, F*D].
    f_ids = jnp.arange(F, dtype=indices.dtype)[None, :]  # [1, F]
    emb = tables[f_ids, indices]  # gather -> [B, F, D]
    out = emb.reshape(indices.shape[0], F * D)  # concat along -1
    return out

if __name__ == "__main__":
    import jax
    _d = setup_inputs()
    print(jax.jit(kernel)(*tuple(_d.values())))

</pallas_src>

<mosaic_0001>
#map = affine_map<(d0, d1) -> (0, 0)>
#map1 = affine_map<(d0, d1) -> (0, 0, 0)>
module attributes {stable_mosaic.version = 14 : i64} {
  func.func @_lookup_body(%arg0: i32, %arg1: i32, %arg2: memref<26x16384xi32, #tpu.memory_space<hbm>>, %arg3: memref<26x16x100000xf32, #tpu.memory_space<hbm>>, %arg4: memref<416x16384xf32, #tpu.memory_space<hbm>>, %arg5: memref<100000xf32, #tpu.memory_space<vmem>>, %arg6: memref<16384xi32, #tpu.memory_space<vmem>>, %arg7: memref<4096xf32, #tpu.memory_space<vmem>>, %arg8: memref<4096xf32, #tpu.memory_space<vmem>>, %arg9: memref<!tpu.dma_semaphore, #tpu.memory_space<semaphore_mem>>, %arg10: memref<!tpu.dma_semaphore, #tpu.memory_space<semaphore_mem>>) attributes {dimension_semantics = [#tpu.dimension_semantics<core_parallel>, #tpu.dimension_semantics<subcore_parallel>], iteration_bounds = array<i64: 2, 16>, scalar_prefetch = 0 : i64, scratch_operands = 6 : i64, tpu.core_type = #tpu.core_type<sc_vector_subcore>, window_params = [{transform_indices = #map}, {transform_indices = #map1}, {transform_indices = #map}]} {
    %mul3A = arith.constant 2 : i32
    %mul3A_0 = arith.muli %arg1, %mul3A : i32
    %add3A = arith.addi %mul3A_0, %arg0 : i32
    %scan3A = arith.constant 0 : i32
    %scan3A_1 = arith.constant 0 : i32
    %scan3A_2 = arith.constant 13 : i32
    %scan3A_3 = arith.addi %scan3A_1, %scan3A_2 : i32
    %scan3A_4 = arith.constant 1 : i32
    scf.for %scan3A_21 = %scan3A_1 to %scan3A_3 step %scan3A_4  : i32 {
      %mul3A_22 = arith.constant 13 : i32
      %mul3A_23 = arith.muli %add3A, %mul3A_22 : i32
      %add3A_24 = arith.addi %mul3A_23, %scan3A_21 : i32
      %jit3A = arith.constant 16 : i32
      %div3A = arith.divsi %add3A_24, %jit3A : i32
      %sign3A = arith.constant 0 : i32
      %sign3A_25 = arith.cmpi sgt, %add3A_24, %sign3A : i32
      %sign3A_26 = arith.extui %sign3A_25 : i1 to i32
      %sign3A_27 = arith.constant 0 : i32
      %sign3A_28 = arith.cmpi slt, %add3A_24, %sign3A_27 : i32
      %sign3A_29 = arith.extui %sign3A_28 : i1 to i32
      %sign3A_30 = arith.subi %sign3A_26, %sign3A_29 : i32
      %sign3A_31 = arith.constant 0 : i32
      %sign3A_32 = arith.cmpi sgt, %jit3A, %sign3A_31 : i32
      %sign3A_33 = arith.extui %sign3A_32 : i1 to i32
      %sign3A_34 = arith.constant 0 : i32
      %sign3A_35 = arith.cmpi slt, %jit3A, %sign3A_34 : i32
      %sign3A_36 = arith.extui %sign3A_35 : i1 to i32
      %sign3A_37 = arith.subi %sign3A_33, %sign3A_36 : i32
      %ne3A = arith.cmpi ne, %sign3A_30, %sign3A_37 : i32
      %rem3A = arith.remsi %add3A_24, %jit3A : i32
      %ne3A_38 = arith.constant 0 : i32
      %ne3A_39 = arith.cmpi ne, %rem3A, %ne3A_38 : i32
      %and3A = arith.andi %ne3A, %ne3A_39 : i1
      %sub3A = arith.constant 1 : i32
      %sub3A_40 = arith.subi %div3A, %sub3A : i32
      %select_n3A = arith.select %and3A, %sub3A_40, %div3A : i32
      %jit3A_41 = arith.constant 16 : i32
      %eq3A = arith.constant 0 : i32
      %eq3A_42 = arith.cmpi eq, %jit3A_41, %eq3A : i32
      %jit3A_43 = arith.constant 1 : i32
      %select_n3A_44 = arith.select %eq3A_42, %jit3A_43, %jit3A_41 : i32
      %rem3A_45 = arith.remsi %add3A_24, %select_n3A_44 : i32
      %ne3A_46 = arith.constant 0 : i32
      %ne3A_47 = arith.cmpi ne, %rem3A_45, %ne3A_46 : i32
      %lt3A = arith.constant 0 : i32
      %lt3A_48 = arith.cmpi slt, %rem3A_45, %lt3A : i32
      %lt3A_49 = arith.constant 0 : i32
      %lt3A_50 = arith.cmpi slt, %select_n3A_44, %lt3A_49 : i32
      %ne3A_51 = arith.xori %lt3A_48, %lt3A_50 : i1
      %and3A_52 = arith.andi %ne3A_51, %ne3A_47 : i1
      %add3A_53 = arith.addi %rem3A_45, %select_n3A_44 : i32
      %select_n3A_54 = arith.select %and3A_52, %add3A_53, %rem3A_45 : i32
      %dma_start3A = arith.constant 0 : i32
      %dma_start3A_55 = tpu.memref_slice %arg3[%select_n3A, %select_n3A_54, %dma_start3A] : memref<26x16x100000xf32, #tpu.memory_space<hbm>> -> memref<1x1x100000xf32, #tpu.memory_space<hbm>>
      %dma_start3A_56 = tpu.memref_squeeze %dma_start3A_55 : memref<1x1x100000xf32, #tpu.memory_space<hbm>> -> memref<100000xf32, #tpu.memory_space<hbm>>
      %dma_start3A_57 = arith.constant 0 : i32
      %dma_start3A_58 = tpu.memref_slice %arg3[%select_n3A, %select_n3A_54, %dma_start3A_57] : memref<26x16x100000xf32, #tpu.memory_space<hbm>> -> memref<1x1x100000xf32, #tpu.memory_space<hbm>>
      %dma_start3A_59 = tpu.memref_squeeze %dma_start3A_58 : memref<1x1x100000xf32, #tpu.memory_space<hbm>> -> memref<100000xf32, #tpu.memory_space<hbm>>
      tpu.enqueue_dma source(%dma_start3A_59 : memref<100000xf32, #tpu.memory_space<hbm>>) target(%arg5 : memref<100000xf32, #tpu.memory_space<vmem>>) target_semaphore(%arg10 : memref<!tpu.dma_semaphore, #tpu.memory_space<semaphore_mem>>)
      %eq3A_60 = arith.constant 0 : i32
      %eq3A_61 = arith.cmpi eq, %scan3A_21, %eq3A_60 : i32
      %eq3A_62 = arith.constant 0 : i32
      %eq3A_63 = arith.cmpi eq, %select_n3A_54, %eq3A_62 : i32
      %or3A = arith.ori %eq3A_61, %eq3A_63 : i1
      %convert_element_type3A = arith.extui %or3A : i1 to i32
      %cond3A = arith.constant 0 : i32
      %cond3A_64 = arith.cmpi ne, %convert_element_type3A, %cond3A : i32
      scf.if %cond3A_64 {
        "tpu.region"() ({
          %run_scoped3A = tpu.sem_alloc : memref<!tpu.dma_semaphore, #tpu.memory_space<semaphore_mem>>
          %dma_start3A_133 = arith.constant 0 : i32
          %dma_start3A_134 = tpu.memref_slice %arg2[%select_n3A, %dma_start3A_133] : memref<26x16384xi32, #tpu.memory_space<hbm>> -> memref<1x16384xi32, #tpu.memory_space<hbm>>
          %dma_start3A_135 = tpu.memref_squeeze %dma_start3A_134 : memref<1x16384xi32, #tpu.memory_space<hbm>> -> memref<16384xi32, #tpu.memory_space<hbm>>
          %dma_start3A_136 = arith.constant 0 : i32
          %dma_start3A_137 = tpu.memref_slice %arg2[%select_n3A, %dma_start3A_136] : memref<26x16384xi32, #tpu.memory_space<hbm>> -> memref<1x16384xi32, #tpu.memory_space<hbm>>
          %dma_start3A_138 = tpu.memref_squeeze %dma_start3A_137 : memref<1x16384xi32, #tpu.memory_space<hbm>> -> memref<16384xi32, #tpu.memory_space<hbm>>
          tpu.enqueue_dma source(%dma_start3A_138 : memref<16384xi32, #tpu.memory_space<hbm>>) target(%arg6 : memref<16384xi32, #tpu.memory_space<vmem>>) target_semaphore(%run_scoped3A : memref<!tpu.dma_semaphore, #tpu.memory_space<semaphore_mem>>)
          %dma_wait3A_139 = arith.constant 0 : i32
          %dma_wait3A_140 = tpu.memref_slice %arg2[%select_n3A, %dma_wait3A_139] : memref<26x16384xi32, #tpu.memory_space<hbm>> -> memref<1x16384xi32, #tpu.memory_space<hbm>>
          %dma_wait3A_141 = tpu.memref_squeeze %dma_wait3A_140 : memref<1x16384xi32, #tpu.memory_space<hbm>> -> memref<16384xi32, #tpu.memory_space<hbm>>
          %dma_wait3A_142 = arith.constant 0 : i32
          %dma_wait3A_143 = tpu.memref_slice %arg2[%select_n3A, %dma_wait3A_142] : memref<26x16384xi32, #tpu.memory_space<hbm>> -> memref<1x16384xi32, #tpu.memory_space<hbm>>
          %dma_wait3A_144 = tpu.memref_squeeze %dma_wait3A_143 : memref<1x16384xi32, #tpu.memory_space<hbm>> -> memref<16384xi32, #tpu.memory_space<hbm>>
          tpu.wait_dma2 semaphore(%run_scoped3A : memref<!tpu.dma_semaphore, #tpu.memory_space<semaphore_mem>>) src(%dma_wait3A_144 : memref<16384xi32, #tpu.memory_space<hbm>>) dst(%arg6 : memref<16384xi32, #tpu.memory_space<vmem>>)
          tpu.yield
        }) : () -> ()
      } else {
      }
      %dma_wait3A_65 = arith.constant 0 : i32
      %dma_wait3A_66 = tpu.memref_slice %arg3[%select_n3A, %select_n3A_54, %dma_wait3A_65] : memref<26x16x100000xf32, #tpu.memory_space<hbm>> -> memref<1x1x100000xf32, #tpu.memory_space<hbm>>
      %dma_wait3A_67 = tpu.memref_squeeze %dma_wait3A_66 : memref<1x1x100000xf32, #tpu.memory_space<hbm>> -> memref<100000xf32, #tpu.memory_space<hbm>>
      %dma_wait3A_68 = arith.constant 0 : i32
      %dma_wait3A_69 = tpu.memref_slice %arg3[%select_n3A, %select_n3A_54, %dma_wait3A_68] : memref<26x16x100000xf32, #tpu.memory_space<hbm>> -> memref<1x1x100000xf32, #tpu.memory_space<hbm>>
      %dma_wait3A_70 = tpu.memref_squeeze %dma_wait3A_69 : memref<1x1x100000xf32, #tpu.memory_space<hbm>> -> memref<100000xf32, #tpu.memory_space<hbm>>
      tpu.wait_dma2 semaphore(%arg10 : memref<!tpu.dma_semaphore, #tpu.memory_space<semaphore_mem>>) src(%dma_wait3A_70 : memref<100000xf32, #tpu.memory_space<hbm>>) dst(%arg5 : memref<100000xf32, #tpu.memory_space<vmem>>)
      %gt3A = arith.constant 0 : i32
      %gt3A_71 = arith.cmpi sgt, %scan3A_21, %gt3A : i32
      %or3A_72 = arith.constant false
      %or3A_73 = arith.ori %gt3A_71, %or3A_72 : i1
      %convert_element_type3A_74 = arith.extui %or3A_73 : i1 to i32
      %cond3A_75 = arith.constant 0 : i32
      %cond3A_76 = arith.cmpi ne, %convert_element_type3A_74, %cond3A_75 : i32
      scf.if %cond3A_76 {
        %dma_wait3A_133 = arith.constant 0 : i32
        %dma_wait3A_134 = tpu.memref_slice %arg4[%add3A_24, %dma_wait3A_133] : memref<416x16384xf32, #tpu.memory_space<hbm>> -> memref<1x4096xf32, #tpu.memory_space<hbm>>
        %dma_wait3A_135 = tpu.memref_squeeze %dma_wait3A_134 : memref<1x4096xf32, #tpu.memory_space<hbm>> -> memref<4096xf32, #tpu.memory_space<hbm>>
        %dma_wait3A_136 = arith.constant 0 : i32
        %dma_wait3A_137 = tpu.memref_slice %arg4[%add3A_24, %dma_wait3A_136] : memref<416x16384xf32, #tpu.memory_space<hbm>> -> memref<1x4096xf32, #tpu.memory_space<hbm>>
        %dma_wait3A_138 = tpu.memref_squeeze %dma_wait3A_137 : memref<1x4096xf32, #tpu.memory_space<hbm>> -> memref<4096xf32, #tpu.memory_space<hbm>>
        tpu.wait_dma2 semaphore(%arg9 : memref<!tpu.dma_semaphore, #tpu.memory_space<semaphore_mem>>) src(%arg7 : memref<4096xf32, #tpu.memory_space<vmem>>) dst(%dma_wait3A_138 : memref<4096xf32, #tpu.memory_space<hbm>>)
      } else {
      }
      %parallel_loop3A = arith.constant 0 : i32
      %parallel_loop3A_77 = arith.constant 4096 : i32
      %parallel_loop3A_78 = arith.constant 16 : i32
      scf.for %parallel_loop3A_133 = %parallel_loop3A to %parallel_loop3A_77 step %parallel_loop3A_78  : i32 {
        %parallel_loop3A_134 = arith.constant 0 : i32
        %parallel_loop3A_135 = arith.addi %parallel_loop3A_134, %parallel_loop3A_133 : i32
        %parallel_loop3A_136 = arith.index_cast %parallel_loop3A_135 : i32 to index
        %parallel_loop3A_137 = tpu.vector_load %arg6[%parallel_loop3A_136] {strides = array<i32>} : memref<16384xi32, #tpu.memory_space<vmem>>, vector<16xi32>,
        %parallel_loop3A_138 = tpu.vector_load_idx %arg5[%parallel_loop3A_137] : memref<100000xf32, #tpu.memory_space<vmem>>[vector<16xi32>], vector<16xf32>,
        %parallel_loop3A_139 = arith.index_cast %parallel_loop3A_133 : i32 to index
        %parallel_loop3A_140 = tpu.vector_load %arg7[%parallel_loop3A_139] {strides = array<i32>} : memref<4096xf32, #tpu.memory_space<vmem>>, vector<16xf32>,
        tpu.vector_store %arg7[%parallel_loop3A_139], %parallel_loop3A_138 {strides = array<i32>} : memref<4096xf32, #tpu.memory_space<vmem>>, vector<16xf32>,
      } {sc.loop_unroll_factor = 8 : i64, sc.parallel_access}
      %dma_start3A_79 = arith.constant 0 : i32
      %dma_start3A_80 = tpu.memref_slice %arg4[%add3A_24, %dma_start3A_79] : memref<416x16384xf32, #tpu.memory_space<hbm>> -> memref<1x4096xf32, #tpu.memory_space<hbm>>
      %dma_start3A_81 = tpu.memref_squeeze %dma_start3A_80 : memref<1x4096xf32, #tpu.memory_space<hbm>> -> memref<4096xf32, #tpu.memory_space<hbm>>
      %dma_start3A_82 = arith.constant 0 : i32
      %dma_start3A_83 = tpu.memref_slice %arg4[%add3A_24, %dma_start3A_82] : memref<416x16384xf32, #tpu.memory_space<hbm>> -> memref<1x4096xf32, #tpu.memory_space<hbm>>
      %dma_start3A_84 = tpu.memref_squeeze %dma_start3A_83 : memref<1x4096xf32, #tpu.memory_space<hbm>> -> memref<4096xf32, #tpu.memory_space<hbm>>
      tpu.enqueue_dma source(%arg7 : memref<4096xf32, #tpu.memory_space<vmem>>) target(%dma_start3A_84 : memref<4096xf32, #tpu.memory_space<hbm>>) target_semaphore(%arg9 : memref<!tpu.dma_semaphore, #tpu.memory_space<semaphore_mem>>)
      %gt3A_85 = arith.constant 0 : i32
      %gt3A_86 = arith.cmpi sgt, %scan3A_21, %gt3A_85 : i32
      %or3A_87 = arith.constant false
      %or3A_88 = arith.ori %gt3A_86, %or3A_87 : i1
      %convert_element_type3A_89 = arith.extui %or3A_88 : i1 to i32
      %cond3A_90 = arith.constant 0 : i32
      %cond3A_91 = arith.cmpi ne, %convert_element_type3A_89, %cond3A_90 : i32
      scf.if %cond3A_91 {
        %dma_wait3A_133 = arith.constant 4096 : i32
        %dma_wait3A_134 = tpu.memref_slice %arg4[%add3A_24, %dma_wait3A_133] : memref<416x16384xf32, #tpu.memory_space<hbm>> -> memref<1x4096xf32, #tpu.memory_space<hbm>>
        %dma_wait3A_135 = tpu.memref_squeeze %dma_wait3A_134 : memref<1x4096xf32, #tpu.memory_space<hbm>> -> memref<4096xf32, #tpu.memory_space<hbm>>
        %dma_wait3A_136 = arith.constant 4096 : i32
        %dma_wait3A_137 = tpu.memref_slice %arg4[%add3A_24, %dma_wait3A_136] : memref<416x16384xf32, #tpu.memory_space<hbm>> -> memref<1x4096xf32, #tpu.memory_space<hbm>>
        %dma_wait3A_138 = tpu.memref_squeeze %dma_wait3A_137 : memref<1x4096xf32, #tpu.memory_space<hbm>> -> memref<4096xf32, #tpu.memory_space<hbm>>
        tpu.wait_dma2 semaphore(%arg9 : memref<!tpu.dma_semaphore, #tpu.memory_space<semaphore_mem>>) src(%arg8 : memref<4096xf32, #tpu.memory_space<vmem>>) dst(%dma_wait3A_138 : memref<4096xf32, #tpu.memory_space<hbm>>)
      } else {
      }
      %parallel_loop3A_92 = arith.constant 0 : i32
      %parallel_loop3A_93 = arith.constant 4096 : i32
      %parallel_loop3A_94 = arith.constant 16 : i32
      scf.for %parallel_loop3A_133 = %parallel_loop3A_92 to %parallel_loop3A_93 step %parallel_loop3A_94  : i32 {
        %parallel_loop3A_134 = arith.constant 4096 : i32
        %parallel_loop3A_135 = arith.addi %parallel_loop3A_134, %parallel_loop3A_133 : i32
        %parallel_loop3A_136 = arith.index_cast %parallel_loop3A_135 : i32 to index
        %parallel_loop3A_137 = tpu.vector_load %arg6[%parallel_loop3A_136] {strides = array<i32>} : memref<16384xi32, #tpu.memory_space<vmem>>, vector<16xi32>,
        %parallel_loop3A_138 = tpu.vector_load_idx %arg5[%parallel_loop3A_137] : memref<100000xf32, #tpu.memory_space<vmem>>[vector<16xi32>], vector<16xf32>,
        %parallel_loop3A_139 = arith.index_cast %parallel_loop3A_133 : i32 to index
        %parallel_loop3A_140 = tpu.vector_load %arg8[%parallel_loop3A_139] {strides = array<i32>} : memref<4096xf32, #tpu.memory_space<vmem>>, vector<16xf32>,
        tpu.vector_store %arg8[%parallel_loop3A_139], %parallel_loop3A_138 {strides = array<i32>} : memref<4096xf32, #tpu.memory_space<vmem>>, vector<16xf32>,
      } {sc.loop_unroll_factor = 8 : i64, sc.parallel_access}
      %dma_start3A_95 = arith.constant 4096 : i32
      %dma_start3A_96 = tpu.memref_slice %arg4[%add3A_24, %dma_start3A_95] : memref<416x16384xf32, #tpu.memory_space<hbm>> -> memref<1x4096xf32, #tpu.memory_space<hbm>>
      %dma_start3A_97 = tpu.memref_squeeze %dma_start3A_96 : memref<1x4096xf32, #tpu.memory_space<hbm>> -> memref<4096xf32, #tpu.memory_space<hbm>>
      %dma_start3A_98 = arith.constant 4096 : i32
      %dma_start3A_99 = tpu.memref_slice %arg4[%add3A_24, %dma_start3A_98] : memref<416x16384xf32, #tpu.memory_space<hbm>> -> memref<1x4096xf32, #tpu.memory_space<hbm>>
      %dma_start3A_100 = tpu.memref_squeeze %dma_start3A_99 : memref<1x4096xf32, #tpu.memory_space<hbm>> -> memref<4096xf32, #tpu.memory_space<hbm>>
      tpu.enqueue_dma source(%arg8 : memref<4096xf32, #tpu.memory_space<vmem>>) target(%dma_start3A_100 : memref<4096xf32, #tpu.memory_space<hbm>>) target_semaphore(%arg9 : memref<!tpu.dma_semaphore, #tpu.memory_space<semaphore_mem>>)
      %gt3A_101 = arith.constant 0 : i32
      %gt3A_102 = arith.cmpi sgt, %scan3A_21, %gt3A_101 : i32
      %or3A_103 = arith.constant true
      %or3A_104 = arith.ori %gt3A_102, %or3A_103 : i1
      %convert_element_type3A_105 = arith.extui %or3A_104 : i1 to i32
      %cond3A_106 = arith.constant 0 : i32
      %cond3A_107 = arith.cmpi ne, %convert_element_type3A_105, %cond3A_106 : i32
      scf.if %cond3A_107 {
        %dma_wait3A_133 = arith.constant 8192 : i32
        %dma_wait3A_134 = tpu.memref_slice %arg4[%add3A_24, %dma_wait3A_133] : memref<416x16384xf32, #tpu.memory_space<hbm>> -> memref<1x4096xf32, #tpu.memory_space<hbm>>
        %dma_wait3A_135 = tpu.memref_squeeze %dma_wait3A_134 : memref<1x4096xf32, #tpu.memory_space<hbm>> -> memref<4096xf32, #tpu.memory_space<hbm>>
        %dma_wait3A_136 = arith.constant 8192 : i32
        %dma_wait3A_137 = tpu.memref_slice %arg4[%add3A_24, %dma_wait3A_136] : memref<416x16384xf32, #tpu.memory_space<hbm>> -> memref<1x4096xf32, #tpu.memory_space<hbm>>
        %dma_wait3A_138 = tpu.memref_squeeze %dma_wait3A_137 : memref<1x4096xf32, #tpu.memory_space<hbm>> -> memref<4096xf32, #tpu.memory_space<hbm>>
        tpu.wait_dma2 semaphore(%arg9 : memref<!tpu.dma_semaphore, #tpu.memory_space<semaphore_mem>>) src(%arg7 : memref<4096xf32, #tpu.memory_space<vmem>>) dst(%dma_wait3A_138 : memref<4096xf32, #tpu.memory_space<hbm>>)
      } else {
      }
      %parallel_loop3A_108 = arith.constant 0 : i32
      %parallel_loop3A_109 = arith.constant 4096 : i32
      %parallel_loop3A_110 = arith.constant 16 : i32
      scf.for %parallel_loop3A_133 = %parallel_loop3A_108 to %parallel_loop3A_109 step %parallel_loop3A_110  : i32 {
        %parallel_loop3A_134 = arith.constant 8192 : i32
        %parallel_loop3A_135 = arith.addi %parallel_loop3A_134, %parallel_loop3A_133 : i32
        %parallel_loop3A_136 = arith.index_cast %parallel_loop3A_135 : i32 to index
        %parallel_loop3A_137 = tpu.vector_load %arg6[%parallel_loop3A_136] {strides = array<i32>} : memref<16384xi32, #tpu.memory_space<vmem>>, vector<16xi32>,
        %parallel_loop3A_138 = tpu.vector_load_idx %arg5[%parallel_loop3A_137] : memref<100000xf32, #tpu.memory_space<vmem>>[vector<16xi32>], vector<16xf32>,
        %parallel_loop3A_139 = arith.index_cast %parallel_loop3A_133 : i32 to index
        %parallel_loop3A_140 = tpu.vector_load %arg7[%parallel_loop3A_139] {strides = array<i32>} : memref<4096xf32, #tpu.memory_space<vmem>>, vector<16xf32>,
        tpu.vector_store %arg7[%parallel_loop3A_139], %parallel_loop3A_138 {strides = array<i32>} : memref<4096xf32, #tpu.memory_space<vmem>>, vector<16xf32>,
      } {sc.loop_unroll_factor = 8 : i64, sc.parallel_access}
      %dma_start3A_111 = arith.constant 8192 : i32
      %dma_start3A_112 = tpu.memref_slice %arg4[%add3A_24, %dma_start3A_111] : memref<416x16384xf32, #tpu.memory_space<hbm>> -> memref<1x4096xf32, #tpu.memory_space<hbm>>
      %dma_start3A_113 = tpu.memref_squeeze %dma_start3A_112 : memref<1x4096xf32, #tpu.memory_space<hbm>> -> memref<4096xf32, #tpu.memory_space<hbm>>
      %dma_start3A_114 = arith.constant 8192 : i32
      %dma_start3A_115 = tpu.memref_slice %arg4[%add3A_24, %dma_start3A_114] : memref<416x16384xf32, #tpu.memory_space<hbm>> -> memref<1x4096xf32, #tpu.memory_space<hbm>>
      %dma_start3A_116 = tpu.memref_squeeze %dma_start3A_115 : memref<1x4096xf32, #tpu.memory_space<hbm>> -> memref<4096xf32, #tpu.memory_space<hbm>>
      tpu.enqueue_dma source(%arg7 : memref<4096xf32, #tpu.memory_space<vmem>>) target(%dma_start3A_116 : memref<4096xf32, #tpu.memory_space<hbm>>) target_semaphore(%arg9 : memref<!tpu.dma_semaphore, #tpu.memory_space<semaphore_mem>>)
      %gt3A_117 = arith.constant 0 : i32
      %gt3A_118 = arith.cmpi sgt, %scan3A_21, %gt3A_117 : i32
      %or3A_119 = arith.constant true
      %or3A_120 = arith.ori %gt3A_118, %or3A_119 : i1
      %convert_element_type3A_121 = arith.extui %or3A_120 : i1 to i32
      %cond3A_122 = arith.constant 0 : i32
      %cond3A_123 = arith.cmpi ne, %convert_element_type3A_121, %cond3A_122 : i32
      scf.if %cond3A_123 {
        %dma_wait3A_133 = arith.constant 12288 : i32
        %dma_wait3A_134 = tpu.memref_slice %arg4[%add3A_24, %dma_wait3A_133] : memref<416x16384xf32, #tpu.memory_space<hbm>> -> memref<1x4096xf32, #tpu.memory_space<hbm>>
        %dma_wait3A_135 = tpu.memref_squeeze %dma_wait3A_134 : memref<1x4096xf32, #tpu.memory_space<hbm>> -> memref<4096xf32, #tpu.memory_space<hbm>>
        %dma_wait3A_136 = arith.constant 12288 : i32
        %dma_wait3A_137 = tpu.memref_slice %arg4[%add3A_24, %dma_wait3A_136] : memref<416x16384xf32, #tpu.memory_space<hbm>> -> memref<1x4096xf32, #tpu.memory_space<hbm>>
        %dma_wait3A_138 = tpu.memref_squeeze %dma_wait3A_137 : memref<1x4096xf32, #tpu.memory_space<hbm>> -> memref<4096xf32, #tpu.memory_space<hbm>>
        tpu.wait_dma2 semaphore(%arg9 : memref<!tpu.dma_semaphore, #tpu.memory_space<semaphore_mem>>) src(%arg8 : memref<4096xf32, #tpu.memory_space<vmem>>) dst(%dma_wait3A_138 : memref<4096xf32, #tpu.memory_space<hbm>>)
      } else {
      }
      %parallel_loop3A_124 = arith.constant 0 : i32
      %parallel_loop3A_125 = arith.constant 4096 : i32
      %parallel_loop3A_126 = arith.constant 16 : i32
      scf.for %parallel_loop3A_133 = %parallel_loop3A_124 to %parallel_loop3A_125 step %parallel_loop3A_126  : i32 {
        %parallel_loop3A_134 = arith.constant 12288 : i32
        %parallel_loop3A_135 = arith.addi %parallel_loop3A_134, %parallel_loop3A_133 : i32
        %parallel_loop3A_136 = arith.index_cast %parallel_loop3A_135 : i32 to index
        %parallel_loop3A_137 = tpu.vector_load %arg6[%parallel_loop3A_136] {strides = array<i32>} : memref<16384xi32, #tpu.memory_space<vmem>>, vector<16xi32>,
        %parallel_loop3A_138 = tpu.vector_load_idx %arg5[%parallel_loop3A_137] : memref<100000xf32, #tpu.memory_space<vmem>>[vector<16xi32>], vector<16xf32>,
        %parallel_loop3A_139 = arith.index_cast %parallel_loop3A_133 : i32 to index
        %parallel_loop3A_140 = tpu.vector_load %arg8[%parallel_loop3A_139] {strides = array<i32>} : memref<4096xf32, #tpu.memory_space<vmem>>, vector<16xf32>,
        tpu.vector_store %arg8[%parallel_loop3A_139], %parallel_loop3A_138 {strides = array<i32>} : memref<4096xf32, #tpu.memory_space<vmem>>, vector<16xf32>,
      } {sc.loop_unroll_factor = 8 : i64, sc.parallel_access}
      %dma_start3A_127 = arith.constant 12288 : i32
      %dma_start3A_128 = tpu.memref_slice %arg4[%add3A_24, %dma_start3A_127] : memref<416x16384xf32, #tpu.memory_space<hbm>> -> memref<1x4096xf32, #tpu.memory_space<hbm>>
      %dma_start3A_129 = tpu.memref_squeeze %dma_start3A_128 : memref<1x4096xf32, #tpu.memory_space<hbm>> -> memref<4096xf32, #tpu.memory_space<hbm>>
      %dma_start3A_130 = arith.constant 12288 : i32
      %dma_start3A_131 = tpu.memref_slice %arg4[%add3A_24, %dma_start3A_130] : memref<416x16384xf32, #tpu.memory_space<hbm>> -> memref<1x4096xf32, #tpu.memory_space<hbm>>
      %dma_start3A_132 = tpu.memref_squeeze %dma_start3A_131 : memref<1x4096xf32, #tpu.memory_space<hbm>> -> memref<4096xf32, #tpu.memory_space<hbm>>
      tpu.enqueue_dma source(%arg8 : memref<4096xf32, #tpu.memory_space<vmem>>) target(%dma_start3A_132 : memref<4096xf32, #tpu.memory_space<hbm>>) target_semaphore(%arg9 : memref<!tpu.dma_semaphore, #tpu.memory_space<semaphore_mem>>)
    }
    %scan3A_5 = arith.constant 13 : i32
    %mul3A_6 = arith.constant 13 : i32
    %mul3A_7 = arith.muli %add3A, %mul3A_6 : i32
    %add3A_8 = arith.constant 12 : i32
    %add3A_9 = arith.addi %mul3A_7, %add3A_8 : i32
    %dma_wait3A = arith.constant 8192 : i32
    %dma_wait3A_10 = tpu.memref_slice %arg4[%add3A_9, %dma_wait3A] : memref<416x16384xf32, #tpu.memory_space<hbm>> -> memref<1x4096xf32, #tpu.memory_space<hbm>>
    %dma_wait3A_11 = tpu.memref_squeeze %dma_wait3A_10 : memref<1x4096xf32, #tpu.memory_space<hbm>> -> memref<4096xf32, #tpu.memory_space<hbm>>
    %dma_wait3A_12 = arith.constant 8192 : i32
    %dma_wait3A_13 = tpu.memref_slice %arg4[%add3A_9, %dma_wait3A_12] : memref<416x16384xf32, #tpu.memory_space<hbm>> -> memref<1x4096xf32, #tpu.memory_space<hbm>>
    %dma_wait3A_14 = tpu.memref_squeeze %dma_wait3A_13 : memref<1x4096xf32, #tpu.memory_space<hbm>> -> memref<4096xf32, #tpu.memory_space<hbm>>
    tpu.wait_dma2 semaphore(%arg9 : memref<!tpu.dma_semaphore, #tpu.memory_space<semaphore_mem>>) src(%arg7 : memref<4096xf32, #tpu.memory_space<vmem>>) dst(%dma_wait3A_14 : memref<4096xf32, #tpu.memory_space<hbm>>)
    %dma_wait3A_15 = arith.constant 12288 : i32
    %dma_wait3A_16 = tpu.memref_slice %arg4[%add3A_9, %dma_wait3A_15] : memref<416x16384xf32, #tpu.memory_space<hbm>> -> memref<1x4096xf32, #tpu.memory_space<hbm>>
    %dma_wait3A_17 = tpu.memref_squeeze %dma_wait3A_16 : memref<1x4096xf32, #tpu.memory_space<hbm>> -> memref<4096xf32, #tpu.memory_space<hbm>>
    %dma_wait3A_18 = arith.constant 12288 : i32
    %dma_wait3A_19 = tpu.memref_slice %arg4[%add3A_9, %dma_wait3A_18] : memref<416x16384xf32, #tpu.memory_space<hbm>> -> memref<1x4096xf32, #tpu.memory_space<hbm>>
    %dma_wait3A_20 = tpu.memref_squeeze %dma_wait3A_19 : memref<1x4096xf32, #tpu.memory_space<hbm>> -> memref<4096xf32, #tpu.memory_space<hbm>>
    tpu.wait_dma2 semaphore(%arg9 : memref<!tpu.dma_semaphore, #tpu.memory_space<semaphore_mem>>) src(%arg8 : memref<4096xf32, #tpu.memory_space<vmem>>) dst(%dma_wait3A_20 : memref<4096xf32, #tpu.memory_space<hbm>>)
    return
  }
}

</mosaic_0001>

<sc_bundles>
// kernel: kernel.3.cloned.1.call-start
scs
__scs_entry_jumppad:
0x0: {  	(pc) =	sbr.rel $0x88, $3  }
0x1: {  	(tag) =	ssettag $0x0;
	lr =	simm.s32 $0x1  }
0x2: {  	[smem:$0x3F9F] =	sst lr;
	_ =	strace $0xD0000000  }
0x3: {  	_ = 	snop  }
0x4: {  	_ = 	snop  }
0x5: {  	_ = 	snop  }
0x6: {  	_ = 	snop  }
0x7: {  	_ = 	snop  }
__scs_overlays_trampoline_lowered:
0x8: {  	[smem:$0x3FAE] =	sst s0  }
0x9: {  	[smem:$0x3FAF] =	sst s1  }
0xa: {  	[smem:$0x3FB0] =	sst s2  }
0xb: {  	[smem:$0x3FB1] =	sst s3  }
0xc: {  	[smem:$0x3FB2] =	sst s4  }
0xd: {  	[smem:$0x3FB3] =	sst s5  }
0xe: {  	[smem:$0x3FB4] =	sst s6  }
0xf: {  	[smem:$0x3FB5] =	sst s7  }
0x10: {  	[smem:$0x3FB6] =	sst s8  }
0x11: {  	[smem:$0x3FB7] =	sst s9;
	s0 =	simm.s32 @!p0 $0x0  }
0x12: {  	s1 =	sld [smem:$0x3F9D];
	s0 =	simm.s32 @p0 $0x1  }
0x13: {  	[smem:$0x3FB8] =	sst s0;
	s0 =	simm.s32 @!p1 $0x0  }
0x14: {  	s2 =	sld [smem:$0x3F9C];
	s0 =	simm.s32 @p1 $0x1  }
0x15: {  	[smem:$0x3FB9] =	sst s0;
	s0 =	simm.s32 @!p2 $0x0  }
0x16: {  	s3 =	sld [smem:$0x3FDB];
	s0 =	simm.s32 @p2 $0x1  }
0x17: {  	s4 =	simm.s32 $0x1BF5;
	[smem:$0x3FBB] =	sst s0  }
0x18: {  	s0 =	sld [smem:$0x3F9E];
	_ =	swait.ge [sflag:s4], $0x0  }
0x19: {  	s7 =	sld [smem:$0x3F9F]  }
0x1a: {  	s8 =	sadd.s32 $0xFFFFE003, lr  }
0x1b: {  	s9 =	sadd.s32 $0xFFFFFEF7, lr;
	s5 =	simm.s32 $0xFFFFFFFF;
	p2 =	slt.u32 s8, $0xFFFFF086  }
0x1c: {  	p1 =	slt.u32 s9, $0xF7A;
	s5 =	simm.s32 @!p2 $0x0  }
0x1d: {  	s5 =	simm.s32 @p1 $0x1;
	p0 =	seq.s32 s7, s2  }
0x1e: {  	s7 =	smul.u32 @!p0 $0xF7A, s2;
	p2 =	seq.s32 @!p0 s5, $0x0  }
0x1f: {  	s9 =	smul.u32 $0xF7A, s1;
	s8 =	simm.s32 @!p0 $0x1BF5;
	p2 =	por !p2, p0  }
0x20: {  	[sflag:s8] =	ssyncset.s32 @!p0 $0xFFFFF086;
	s6 =	sadd.s32 @!p0 s3, s7;
	s7 =	simm.s32 @!p0 $0x108  }
0x21: {  	s3 =	sadd.s32 s3, s9;
	s6 =	sadd.s32 @!p0 $0x88, s6;
	s7 =	simm.s32 @p2 $0x1082  }
0x22: {  	[simem:s7], [sflag:s8] =	dma.local @!p0 [hbm:s6], $0xF7A  }
0x23: {  	s9 =	sor.u32 $0xD0000000, s2;
	s6 =	simm.s32 $0x108;
	_ =	swait.ge @!p0 [sflag:s8], $0x0  }
0x24: {  	s3 =	sadd.s32 $0x88, s3;
	s6 =	simm.s32 @!p1 $0x1082;
	[sflag:s4] =	ssyncset.s32 $0xFFFFF086  }
0x25: {  	[simem:s6], [sflag:s4] =	dma.local [hbm:s3], $0xF7A  }
0x26: {  	[smem:$0x3F9F] =	sst s1;
	(tag) =	ssettag s2;
	_ =	strace s9  }
0x27: {  	s1 =	sld [smem:$0x3FAF]  }
0x28: {  	s2 =	sld [smem:$0x3FB0]  }
0x29: {  	s4 =	sld [smem:$0x3FB2]  }
0x2a: {  	p0 =	seq.s32 s5, $0x0;
	s5 =	sld [smem:$0x3FB3]  }
0x2b: {  	s6 =	sld [smem:$0x3FB4]  }
0x2c: {  	s7 =	sld [smem:$0x3FB5]  }
0x2d: {  	s3 =	simm.s32 $0x108;
	s8 =	sld [smem:$0x3FB6]  }
0x2e: {  	s3 =	simm.s32 @!p0 $0x1082;
	s9 =	sld [smem:$0x3FB7]  }
0x2f: {  	lr =	sadd.s32 s0, s3;
	s0 =	sld [smem:$0x3FAE]  }
0x30: {  	s3 =	sld [smem:$0x3FB1]  }
0x31: {  	[smem:$0x3FBA] =	sst s10  }
0x32: {  	s10 =	sld [smem:$0x3FB8];
	_ =	sdelay $0x3  }
0x33: {  	p0 =	seq.s32 s10, $0x1;
	s10 =	sld [smem:$0x3FBA];
	_ =	sdelay $0x3  }
0x34: {  	[smem:$0x3FBA] =	sst s10  }
0x35: {  	s10 =	sld [smem:$0x3FB9];
	_ =	sdelay $0x3  }
0x36: {  	p1 =	seq.s32 s10, $0x1;
	s10 =	sld [smem:$0x3FBA];
	_ =	sdelay $0x3  }
0x37: {  	[smem:$0x3FBA] =	sst s10  }
0x38: {  	s10 =	sld [smem:$0x3FBB]  }
0x39: {  	_ = 	snop;
	(pc) =	sbr.ind lr, $3  }
0x3a: {  	_ = 	snop  }
0x3b: {  	_ = 	snop  }
0x3c: {  	p2 =	seq.s32 s10, $0x1;
	s10 =	sld [smem:$0x3FBA]  }
0x3d: {  	_ =	shalt  }
0x3e: {  	_ =	shalt  }
0x3f: {  	_ =	shalt  }
0x40: {  	_ =	shalt  }
0x41: {  	_ =	shalt  }
0x42: {  	_ =	shalt  }
0x43: {  	_ =	shalt  }
0x44: {  	_ =	shalt  }
0x45: {  	_ =	shalt  }
0x46: {  	_ =	shalt  }
0x47: {  	_ =	shalt  }
0x48: {  	_ =	shalt  }
0x49: {  	_ =	shalt  }
0x4a: {  	_ =	shalt  }
0x4b: {  	_ =	shalt  }
0x4c: {  	_ =	shalt  }
0x4d: {  	_ =	shalt  }
0x4e: {  	_ =	shalt  }
0x4f: {  	_ =	shalt  }
0x50: {  	_ =	shalt  }
0x51: {  	_ =	shalt  }
0x52: {  	_ =	shalt  }
0x53: {  	_ =	shalt  }
0x54: {  	_ =	shalt  }
0x55: {  	_ =	shalt  }
0x56: {  	_ =	shalt  }
0x57: {  	_ =	shalt  }
0x58: {  	_ =	shalt  }
0x59: {  	_ =	shalt  }
0x5a: {  	_ =	shalt  }
0x5b: {  	_ =	shalt  }
0x5c: {  	_ =	shalt  }
0x5d: {  	_ =	shalt  }
0x5e: {  	_ =	shalt  }
0x5f: {  	_ =	shalt  }
0x60: {  	_ =	shalt  }
0x61: {  	_ =	shalt  }
0x62: {  	_ =	shalt  }
0x63: {  	_ =	shalt  }
0x64: {  	_ =	shalt  }
0x65: {  	_ =	shalt  }
0x66: {  	_ =	shalt  }
0x67: {  	_ =	shalt  }
0x68: {  	_ =	shalt  }
0x69: {  	_ =	shalt  }
0x6a: {  	_ =	shalt  }
0x6b: {  	_ =	shalt  }
0x6c: {  	_ =	shalt  }
0x6d: {  	_ =	shalt  }
0x6e: {  	_ =	shalt  }
0x6f: {  	_ =	shalt  }
0x70: {  	_ =	shalt  }
0x71: {  	_ =	shalt  }
0x72: {  	_ =	shalt  }
0x73: {  	_ =	shalt  }
0x74: {  	_ =	shalt  }
0x75: {  	_ =	shalt  }
0x76: {  	_ =	shalt  }
0x77: {  	_ =	shalt  }
0x78: {  	_ =	shalt  }
0x79: {  	_ =	shalt  }
0x7a: {  	_ =	shalt  }
0x7b: {  	_ =	shalt  }
0x7c: {  	_ =	shalt  }
0x7d: {  	_ =	shalt  }
0x7e: {  	_ =	shalt  }
0x7f: {  	_ =	shalt  }
0x80: {  	_ =	shalt  }
0x81: {  	_ =	shalt  }
0x82: {  	_ =	shalt  }
0x83: {  	_ =	shalt  }
0x84: {  	_ =	shalt  }
0x85: {  	_ =	shalt  }
0x86: {  	_ =	shalt  }
0x87: {  	_ =	shalt  }
.Lfunc_end0:
.L_simem_size_0:
called_computation_lowered:
.L_overlay_start_0:
0x88: {  	s2 =	sld [smem:$0x3FD9]  }
0x89: {  	s3 =	sld [smem:$0x3FFE];
	_ =	sdelay $0x1  }
0x8a: {  	s1 =	srdreg.scid  }
0x8b: {  	s0 =	sand.u32 $0x1, s1  }
0x8c: {  	s18 =	sshll.u32 s0, $0xA;
	s2 =	sadd.s32 s3, s2  }
0x8d: {  	s2 =	sadd.s32 s2, s18  }
0x8e: {  	[smem:$0x3FC6] =	sst s2  }
0x8f: {  	_ = 	snop  }
0x90: {  	s2 =	sld [smem:$0x3FC9]  }
0x91: {  	s19 =	sld [smem:$0x3FC8]  }
0x92: {  	s4 =	sld [smem:$0x3FD0];
	(tm) =	ssettm $0x1  }
0x93: {  	s5 =	sld [smem:$0x3FFB];
	_ =	sdelay $0x3  }
0x94: {  	_ =	strace s5  }
0x95: {  	s5 =	sld [smem:$0x3FFC];
	_ =	sdelay $0x3  }
0x96: {  	_ =	strace s5  }
0x97: {  	s5 =	sld [smem:$0x3FFD];
	_ =	sdelay $0x3  }
0x98: {  	_ =	strace s5  }
0x99: {  	_ =	strace $0x8FFFFFFF  }
0x9a: {  	s20 =	sld [smem:$0x3FDB];
	_ =	sdelay $0x1  }
0x9b: {  	s6 =	simm.s32 $_scs_section_size  }
0x9c: {  	s7 =	simm.s32 $_size__tile_overlayer_lowered;
	s8 =	simm.s32 $_tile_overlayer_lowered  }
0x9d: {  	s23 =	simm.s32 $0x1BFF;
	s22 =	sshll.u32 s8, $0x1;
	s5 =	sadd.s32 s6, s20  }
0x9e: {  	s9 =	simm.s32 $0x0;
	s21 =	sshll.u32 s7, $0x1;
	s7 =	sadd.s32 s22, s5  }
0x9f: {  	[timem:s9], [sflag:s23] =	dma.local [hbm:s7], s21  }
0xa0: {  	_ =	swait.ge [sflag:s23], s21  }
0xa1: {  	s6 =	ssub.s32 $0x0, s21;
	[sflag:s23] =	ssyncset.done $0x0  }
0xa2: {  	[sflag:s23] =	ssyncadd.s32 s6;
	_ =	sdelay $0x1  }
0xa3: {  	s24 =	simm.s32 $0x1B8B  }
0xa4: {  	_ =	swait.ge [sflag:s24], $0x1  }
0xa5: {  	[sflag:s24] =	ssyncset.done $0x0  }
0xa6: {  	s25 =	simm.s32 $0x1B8E;
	[sflag:s24] =	ssyncadd.s32 $0xFFFFFFFF  }
0xa7: {  	s26 =	simm.s32 $execute0_lowered;
	[smem:$0x3FD2] =	sst s25  }
0xa8: {  	s6 =	sshll.u32 s26, $0x1;
	_ =	strace $0x80000046;
	[dreg:$0x1] =	wrdreg $0xFFFFFFFF  }
0xa9: {  	s28 =	simm.s32 $_size_execute0_lowered;
	s5 =	sadd.s32 s5, s6;
	[dreg:$0x0] =	wrdreg $0x0  }
0xaa: {  	s6 =	sshll.u32 s28, $0x1;
	[dreg:$0x2] =	wrdreg s5  }
0xab: {  	[dreg:$0x3] =	wrdreg s6  }
0xac: {  	[dreg:$0x4] =	wrdreg $0xC0  }
0xad: {  	_ =	task [dreg:s9], $0x5FFFF  }
0xae: {  	[dreg:$0x1] =	wrdreg $0xFFFFFFFF  }
0xaf: {  	[dreg:$0x0] =	wrdreg $0x60  }
0xb0: {  	[dreg:$0x2] =	wrdreg s2  }
0xb1: {  	[dreg:$0x3] =	wrdreg s19  }
0xb2: {  	[dreg:$0x4] =	wrdreg s4  }
0xb3: {  	[dreg:$0x5] =	wrdreg $0x9  }
0xb4: {  	_ =	task.clear_ibuf [dreg:s9], $0x6FFFF;
	_ =	strace $0x90000046  }
0xb5: {  	s29 =	simm.s32 $0x9;
	_ =	strace $0x80000048  }
0xb6: {  	_ =	swait.ge [sflag:s29], $0x1  }
0xb7: {  	[sflag:s29] =	ssyncadd.s32 $0xFFFFFFFF  }
0xb8: {  	_ =	strace $0x90000048  }
0xb9: {  	_ =	sfence  }
0xba: {  	s30 =	sld [smem:$0x0];
	_ =	sdelay $0x2  }
0xbb: {  	s31 =	sshll.u32 s1, $0xD;
	s1 =	sshrl.u32 s1, $0x2  }
0xbc: {  	s3 =	sand.u32 $0x4000, s31;
	s1 =	sadd.s32 s1, s30  }
0xbd: {  	s0 =	sor.u32 s3, s0;
	s1 =	sshll.u32 s1, $0x11  }
0xbe: {  	s0 =	sor.u32 s1, s0  }
0xbf: {  	s0 =	sadd.s32 $0x8F2B, s0  }
0xc0: {  	[sflag:s0] =	ssyncadd.remote.s32 $0x1  }
0xc1: {  	_ =	sfence.sel $0xFFFF  }
0xc2: {  	[dreg:$0x0] =	wrdreg $0xFFFFFFFF;
	(pc) =	sbr.abs _section_cstart, $3  }
0xc3: {  	[dreg:$0x1] =	wrdreg $0xFFFFFFFF  }
0xc4: {  	_ =	task.clear_ibuf [dreg:s9], $0x2FFFF;
	_ =	strace $0x9FFFFFFF  }
0xc5: {  	(tm) =	ssettm $0x7FFFFFFF  }
tec
execute0_lowered:
.L_overlay_start_1:
0x0: {  	(tag) =	ssettag $0x1  }
0x1: {  	s1 =	rddreg [dreg:$0x0]  }
0x2: {  	s2 =	rddreg [dreg:$0x1]  }
0x3: {  	s4 =	rddreg [dreg:$0x2]  }
0x4: {  	s0 =	rddreg [dreg:$0x3];
	s6 =	srdreg.scid  }
0x5: {  	s5 =	simm.s32 $0x0;
	s3 =	stileid.u32;
	s11 =	simm.s32 $0x80  }
0x6: {  	s12 =	simm.s32 $0x400;
	s13 =	simm.s32 $0x18700;
	s14 =	simm.s32 $0x3  }
0x7: {  	s15 =	simm.s32 $0x2;
	s16 =	simm.s32 $0x1C700;
	s17 =	simm.s32 $0x1D700  }
0x8: {  	s18 =	simm.s32 $0x1;
	s19 =	simm.s32 $0x0;
	s6 =	sand.u32 $0x1, s6  }
0x9: {  	[smem:$0x7FF] =	sst s5;
	s8 =	sshll.u32 s3, $0x1;
	s7 =	ssub.s32 $0x2, s6  }
0xa: {  	_ =	strace $0x80000047;
	s6 =	sor.u32 s6, s8;
	s9 =	sshrl.u32 s7, $0x1  }
0xb: {  	s8 =	sadd.s32 $0x2000, s4;
	s6 =	smul.u32 $0xD, s6;
	s10 =	ssub.s32 s7, s9  }
0xc: {  	s7 =	sadd.s32 $0x1000, s4;
	s9 =	sadd.s32 $0x3000, s4;
	s10 =	smax.u32 s10, $0x1  }
.LBB2_1:
0xd: {  	s20 =	simm.s32 $0x0  }
.LBB2_2:
0xe: {  	s21 =	sadd.s32 s6, s20  }
0xf: {  	s22 =	sshrl.u32 s21, $0x4;
	s23 =	sand.u32 $0xF, s21  }
0x10: {  	p0 =	seq.s32 s20, $0x0;
	s24 =	smul.u32 $0x187000, s22;
	s25 =	sshrl.u32 s23, $0x3  }
0x11: {  	p1 =	seq.s32 @!p0 s23, $0x0;
	s25 =	smul.u32 $0xC3800, s25  }
0x12: {  	s26 =	sshll.u32 s21, $0x7;
	p1 =	por p0, p1  }
.Ltmp0:
0x13: {  	s31 =	sand.u32 $0x380, s26;
	s24 =	sadd.s32 s24, s25;
	(pc) =	sbr.rel @p1 .LBB2_4-.Ltmp0, $4  }
0x14: {  	s24 =	sor.u32 s31, s24  }
0x15: {  	s24 =	sshrl.u32 s24, $0x3  }
0x16: {  	s24 =	sadd.s32 s2, s24  }
0x17: {  	[tilespmem:s5], [sflag:$0x2] =	stream.strided.gather [hbm4b:s24+s11], $0x18700, s12, s11, $0x38;
	[tilespmem:$0x1E700] =	vst v63  }
.Ltmp1:
0x18: {  	(pc) =	sbr.rel .LBB2_5-.Ltmp1, $4  }
0x19: {  	_ = 	snop  }
0x1a: {  	_ =	swait.ge [sflag:s15], $0x18700  }
0x1b: {  	[sflag:s15] =	ssyncset.done $0x0  }
0x1c: {  	[sflag:s15] =	ssyncadd.s32 $0xFFFE7900  }
.LBB2_4:
0x1d: {  	s22 =	sshll.u32 s22, $0xB;
	s23 =	sand.u32 $0x70, s21  }
0x1e: {  	s22 =	sand.u32 $0xFFFC000, s22;
	s23 =	sadd.s32 s1, s23  }
0x1f: {  	s22 =	sadd.s32 s22, s23  }
0x20: {  	[tilespmem:s13], [sflag:$0x3] =	stream.strided.gather [hbm4b:s22+s11], $0x4000, s12, s11, $0x38;
	[tilespmem:$0x1E700] =	vst v63  }
0x21: {  	_ =	swait.ge [sflag:s14], $0x4000  }
.Ltmp2:
0x22: {  	[sflag:s14] =	ssyncset.done $0x0;
	(pc) =	sbr.rel @p0 .LBB2_6-.Ltmp2, $4  }
0x23: {  	[sflag:s14] =	ssyncadd.s32 $0xFFFFC000  }
0x24: {  	_ =	swait.ge [sflag:s15], $0x18700  }
0x25: {  	[sflag:s15] =	ssyncset.done $0x0  }
0x26: {  	[sflag:s15] =	ssyncadd.s32 $0xFFFE7900  }
.LBB2_5:
0x27: {  	_ =	swait.ge [sflag:s18], $0x1000  }
0x28: {  	[sflag:s18] =	ssyncset.done $0x0  }
0x29: {  	[sflag:s18] =	ssyncadd.s32 $0xFFFFF000  }
.LBB2_6:
0x2a: {  	s22 =	simm.s32 $0x18740  }
0x2b: {  	v0 =	vld [tilespmem:s22+$0x30]  }
0x2c: {  	v1 =	vld [tilespmem:s22+$0xFFFFFFD0]  }
0x2d: {  	v2 =	vld [tilespmem:s22+$0xFFFFFFE0]  }
0x2e: {  	v3 =	vld [tilespmem:s22+$0xFFFFFFF0]  }
0x2f: {  	v6 =	vld [tilespmem:s22+$0x0]  }
0x30: {  	v7 =	vld [tilespmem:s22+$0x10]  }
0x31: {  	v8 =	vld [tilespmem:s22+$0x20]  }
0x32: {  	v9 =	vld [tilespmem:s22+$0xFFFFFFC0]  }
0x33: {  	v10 =	vld.idx.msk [tilespmem:v0+s5+$0x0], $0xffff  }
0x34: {  	v11 =	vld.idx.msk [tilespmem:v1+s5+$0x0], $0xffff  }
0x35: {  	v5 =	vld.idx.msk [tilespmem:v2+s5+$0x0], $0xffff  }
0x36: {  	v4 =	vld.idx.msk [tilespmem:v3+s5+$0x0], $0xffff  }
0x37: {  	v3 =	vld.idx.msk [tilespmem:v6+s5+$0x0], $0xffff  }
0x38: {  	s22 =	simm.s32 $0x1C740;
	v2 =	vld.idx.msk [tilespmem:v7+s5+$0x0], $0xffff  }
0x39: {  	v0 =	vld.idx.msk [tilespmem:v8+s5+$0x0], $0xffff;
	[tilespmem:s22+$0x30] =	vst v10  }
0x3a: {  	s23 =	simm.s32 $0x0;
	s24 =	simm.s32 $0x187C0;
	v1 =	vld.idx.msk [tilespmem:v9+s5+$0x0], $0xffff;
	[tilespmem:s22+$0xFFFFFFD0] =	vst v11  }
.LBB2_7:
0x3b: {  	v6 =	vld [tilespmem:s24+$0x30];
	s23 =	sadd.s32 $0x80, s23;
	[tilespmem:s22+$0xFFFFFFE0] =	vst v5  }
0x3c: {  	v5 =	vld [tilespmem:s24+$0xFFFFFFD0];
	p1 =	slt.u32 s23, $0xF80;
	[tilespmem:s22+$0xFFFFFFF0] =	vst v4  }
0x3d: {  	v4 =	vld [tilespmem:s24+$0xFFFFFFE0];
	[tilespmem:s22+$0x0] =	vst v3  }
0x3e: {  	v3 =	vld [tilespmem:s24+$0xFFFFFFF0];
	[tilespmem:s22+$0x10] =	vst v2  }
0x3f: {  	v2 =	vld [tilespmem:s24+$0x0];
	[tilespmem:s22+$0x20] =	vst v0  }
0x40: {  	v0 =	vld [tilespmem:s24+$0x10];
	[tilespmem:s22+$0xFFFFFFC0] =	vst v1  }
0x41: {  	v1 =	vld [tilespmem:s24+$0x20]  }
0x42: {  	v7 =	vld [tilespmem:s24+$0xFFFFFFC0]  }
0x43: {  	v6 =	vld.idx.msk [tilespmem:v6+s5+$0x0], $0xffff  }
0x44: {  	v8 =	vld.idx.msk [tilespmem:v5+s5+$0x0], $0xffff  }
0x45: {  	v5 =	vld.idx.msk [tilespmem:v4+s5+$0x0], $0xffff  }
.Ltmp3:
0x46: {  	v4 =	vld.idx.msk [tilespmem:v3+s5+$0x0], $0xffff;
	(pc) =	sbr.rel @p1 .LBB2_7-.Ltmp3, $4  }
0x47: {  	v3 =	vld.idx.msk [tilespmem:v2+s5+$0x0], $0xffff  }
0x48: {  	s22 =	sadd.s32 $0x80, s22;
	v2 =	vld.idx.msk [tilespmem:v0+s5+$0x0], $0xffff  }
0x49: {  	v0 =	vld.idx.msk [tilespmem:v1+s5+$0x0], $0xffff;
	[tilespmem:s22+$0x30] =	vst v6  }
0x4a: {  	s24 =	sadd.s32 $0x80, s24;
	v1 =	vld.idx.msk [tilespmem:v7+s5+$0x0], $0xffff;
	[tilespmem:s22+$0xFFFFFFD0] =	vst v8  }
0x4b: {  	[tilespmem:s22+$0xFFFFFFE0] =	vst v5  }
0x4c: {  	[tilespmem:s22+$0xFFFFFFF0] =	vst v4  }
0x4d: {  	s23 =	sshll.u32 s21, $0xB;
	s29 =	sshll.u32 s21, $0x4;
	[tilespmem:s22+$0x0] =	vst v3  }
0x4e: {  	s23 =	sand.u32 $0xFFFC000, s23;
	s21 =	sand.u32 $0x70, s29;
	[tilespmem:s22+$0x10] =	vst v2  }
0x4f: {  	s21 =	sor.u32 s21, s23;
	[tilespmem:s22+$0x20] =	vst v0  }
0x50: {  	s30 =	sadd.s32 s4, s21;
	[tilespmem:s22+$0xFFFFFFC0] =	vst v1;
	s22 =	simm.s32 @!p0 $0x1  }
0x51: {  	[hbm4b:s30+s11] =	stream.strided.scatter [tilespmem:s16], [sflag:$0x1], $0x1000, s12, s11, $0x38;
	[tilespmem:$0x1E700] =	vst v63  }
0x52: {  	_ =	swait.ge @!p0 [sflag:s22], $0x1000  }
0x53: {  	[sflag:s22] =	ssyncset.done @!p0 $0x0  }
0x54: {  	s31 =	simm.s32 $0x19770;
	[sflag:s22] =	ssyncadd.s32 @!p0 $0xFFFFF000  }
0x55: {  	v0 =	vld [tilespmem:s31+$0x0]  }
0x56: {  	v1 =	vld [tilespmem:s31+$0xFFFFFFA0]  }
0x57: {  	v2 =	vld [tilespmem:s31+$0xFFFFFFB0]  }
0x58: {  	v3 =	vld [tilespmem:s31+$0xFFFFFFC0]  }
0x59: {  	v4 =	vld [tilespmem:s31+$0xFFFFFFD0]  }
0x5a: {  	v6 =	vld [tilespmem:s31+$0xFFFFFFE0]  }
0x5b: {  	v7 =	vld [tilespmem:s31+$0xFFFFFFF0]  }
0x5c: {  	v8 =	vld [tilespmem:s31+$0xFFFFFF90]  }
0x5d: {  	v9 =	vld.idx.msk [tilespmem:v0+s5+$0x0], $0xffff  }
0x5e: {  	v10 =	vld.idx.msk [tilespmem:v1+s5+$0x0], $0xffff  }
0x5f: {  	v5 =	vld.idx.msk [tilespmem:v2+s5+$0x0], $0xffff  }
0x60: {  	v3 =	vld.idx.msk [tilespmem:v3+s5+$0x0], $0xffff  }
0x61: {  	v0 =	vld.idx.msk [tilespmem:v4+s5+$0x0], $0xffff  }
0x62: {  	s22 =	simm.s32 $0x1D740;
	v1 =	vld.idx.msk [tilespmem:v6+s5+$0x0], $0xffff  }
0x63: {  	v2 =	vld.idx.msk [tilespmem:v7+s5+$0x0], $0xffff;
	[tilespmem:s22+$0x30] =	vst v9  }
0x64: {  	s24 =	simm.s32 $0x197F0;
	s23 =	simm.s32 $0x0;
	v4 =	vld.idx.msk [tilespmem:v8+s5+$0x0], $0xffff;
	[tilespmem:s22+$0xFFFFFFD0] =	vst v10  }
.LBB2_9:
0x65: {  	v6 =	vld [tilespmem:s24+$0x0];
	s23 =	sadd.s32 $0x80, s23;
	[tilespmem:s22+$0xFFFFFFE0] =	vst v5  }
0x66: {  	v5 =	vld [tilespmem:s24+$0xFFFFFFA0];
	p0 =	slt.u32 s23, $0xF80;
	[tilespmem:s22+$0xFFFFFFF0] =	vst v3  }
0x67: {  	v3 =	vld [tilespmem:s24+$0xFFFFFFB0];
	[tilespmem:s22+$0x0] =	vst v0  }
0x68: {  	v0 =	vld [tilespmem:s24+$0xFFFFFFC0];
	[tilespmem:s22+$0x10] =	vst v1  }
0x69: {  	v1 =	vld [tilespmem:s24+$0xFFFFFFD0];
	[tilespmem:s22+$0x20] =	vst v2  }
0x6a: {  	v2 =	vld [tilespmem:s24+$0xFFFFFFE0];
	[tilespmem:s22+$0xFFFFFFC0] =	vst v4  }
0x6b: {  	v4 =	vld [tilespmem:s24+$0xFFFFFFF0]  }
0x6c: {  	v7 =	vld [tilespmem:s24+$0xFFFFFF90]  }
0x6d: {  	v6 =	vld.idx.msk [tilespmem:v6+s5+$0x0], $0xffff  }
0x6e: {  	v8 =	vld.idx.msk [tilespmem:v5+s5+$0x0], $0xffff  }
0x6f: {  	v5 =	vld.idx.msk [tilespmem:v3+s5+$0x0], $0xffff  }
.Ltmp4:
0x70: {  	v3 =	vld.idx.msk [tilespmem:v0+s5+$0x0], $0xffff;
	(pc) =	sbr.rel @p0 .LBB2_9-.Ltmp4, $4  }
0x71: {  	v0 =	vld.idx.msk [tilespmem:v1+s5+$0x0], $0xffff  }
0x72: {  	s22 =	sadd.s32 $0x80, s22;
	v1 =	vld.idx.msk [tilespmem:v2+s5+$0x0], $0xffff  }
0x73: {  	v2 =	vld.idx.msk [tilespmem:v4+s5+$0x0], $0xffff;
	[tilespmem:s22+$0x30] =	vst v6  }
0x74: {  	s24 =	sadd.s32 $0x80, s24;
	v4 =	vld.idx.msk [tilespmem:v7+s5+$0x0], $0xffff;
	[tilespmem:s22+$0xFFFFFFD0] =	vst v8  }
0x75: {  	[tilespmem:s22+$0xFFFFFFE0] =	vst v5  }
0x76: {  	[tilespmem:s22+$0xFFFFFFF0] =	vst v3  }
0x77: {  	[tilespmem:s22+$0x0] =	vst v0  }
0x78: {  	[tilespmem:s22+$0x10] =	vst v1  }
0x79: {  	[tilespmem:s22+$0x20] =	vst v2  }
0x7a: {  	s30 =	sadd.s32 s21, s7;
	[tilespmem:s22+$0xFFFFFFC0] =	vst v4  }
0x7b: {  	[hbm4b:s30+s11] =	stream.strided.scatter [tilespmem:s17], [sflag:$0x1], $0x1000, s12, s11, $0x38;
	[tilespmem:$0x1E700] =	vst v63  }
0x7c: {  	_ =	swait.ge [sflag:s18], $0x1000  }
0x7d: {  	[sflag:s18] =	ssyncset.done $0x0  }
0x7e: {  	s31 =	simm.s32 $0x1A770;
	[sflag:s18] =	ssyncadd.s32 $0xFFFFF000  }
0x7f: {  	v0 =	vld [tilespmem:s31+$0x0]  }
0x80: {  	v1 =	vld [tilespmem:s31+$0xFFFFFFA0]  }
0x81: {  	v2 =	vld [tilespmem:s31+$0xFFFFFFB0]  }
0x82: {  	v3 =	vld [tilespmem:s31+$0xFFFFFFC0]  }
0x83: {  	v5 =	vld [tilespmem:s31+$0xFFFFFFD0]  }
0x84: {  	v6 =	vld [tilespmem:s31+$0xFFFFFFE0]  }
0x85: {  	v7 =	vld [tilespmem:s31+$0xFFFFFFF0]  }
0x86: {  	v8 =	vld [tilespmem:s31+$0xFFFFFF90]  }
0x87: {  	v9 =	vld.idx.msk [tilespmem:v0+s5+$0x0], $0xffff  }
0x88: {  	v10 =	vld.idx.msk [tilespmem:v1+s5+$0x0], $0xffff  }
0x89: {  	v4 =	vld.idx.msk [tilespmem:v2+s5+$0x0], $0xffff  }
0x8a: {  	v3 =	vld.idx.msk [tilespmem:v3+s5+$0x0], $0xffff  }
0x8b: {  	v0 =	vld.idx.msk [tilespmem:v5+s5+$0x0], $0xffff  }
0x8c: {  	s22 =	simm.s32 $0x1C740;
	v1 =	vld.idx.msk [tilespmem:v6+s5+$0x0], $0xffff  }
0x8d: {  	v2 =	vld.idx.msk [tilespmem:v7+s5+$0x0], $0xffff;
	[tilespmem:s22+$0x30] =	vst v9  }
0x8e: {  	s23 =	sadd.s32 s21, s8;
	s24 =	simm.s32 $0x0;
	s25 =	simm.s32 $0x1A7F0;
	v5 =	vld.idx.msk [tilespmem:v8+s5+$0x0], $0xffff;
	[tilespmem:s22+$0xFFFFFFD0] =	vst v10  }
.LBB2_11:
0x8f: {  	v6 =	vld [tilespmem:s25+$0x0];
	s24 =	sadd.s32 $0x80, s24;
	[tilespmem:s22+$0xFFFFFFE0] =	vst v4  }
0x90: {  	v4 =	vld [tilespmem:s25+$0xFFFFFFA0];
	p0 =	slt.u32 s24, $0xF80;
	[tilespmem:s22+$0xFFFFFFF0] =	vst v3  }
0x91: {  	v3 =	vld [tilespmem:s25+$0xFFFFFFB0];
	[tilespmem:s22+$0x0] =	vst v0  }
0x92: {  	v0 =	vld [tilespmem:s25+$0xFFFFFFC0];
	[tilespmem:s22+$0x10] =	vst v1  }
0x93: {  	v1 =	vld [tilespmem:s25+$0xFFFFFFD0];
	[tilespmem:s22+$0x20] =	vst v2  }
0x94: {  	v2 =	vld [tilespmem:s25+$0xFFFFFFE0];
	[tilespmem:s22+$0xFFFFFFC0] =	vst v5  }
0x95: {  	v5 =	vld [tilespmem:s25+$0xFFFFFFF0]  }
0x96: {  	v7 =	vld [tilespmem:s25+$0xFFFFFF90]  }
0x97: {  	v6 =	vld.idx.msk [tilespmem:v6+s5+$0x0], $0xffff  }
0x98: {  	v8 =	vld.idx.msk [tilespmem:v4+s5+$0x0], $0xffff  }
0x99: {  	v4 =	vld.idx.msk [tilespmem:v3+s5+$0x0], $0xffff  }
.Ltmp5:
0x9a: {  	v3 =	vld.idx.msk [tilespmem:v0+s5+$0x0], $0xffff;
	(pc) =	sbr.rel @p0 .LBB2_11-.Ltmp5, $4  }
0x9b: {  	v0 =	vld.idx.msk [tilespmem:v1+s5+$0x0], $0xffff  }
0x9c: {  	s22 =	sadd.s32 $0x80, s22;
	v1 =	vld.idx.msk [tilespmem:v2+s5+$0x0], $0xffff  }
0x9d: {  	v2 =	vld.idx.msk [tilespmem:v5+s5+$0x0], $0xffff;
	[tilespmem:s22+$0x30] =	vst v6  }
0x9e: {  	s25 =	sadd.s32 $0x80, s25;
	v5 =	vld.idx.msk [tilespmem:v7+s5+$0x0], $0xffff;
	[tilespmem:s22+$0xFFFFFFD0] =	vst v8  }
0x9f: {  	[tilespmem:s22+$0xFFFFFFE0] =	vst v4  }
0xa0: {  	[tilespmem:s22+$0xFFFFFFF0] =	vst v3  }
0xa1: {  	[tilespmem:s22+$0x0] =	vst v0  }
0xa2: {  	[tilespmem:s22+$0x10] =	vst v1  }
0xa3: {  	[tilespmem:s22+$0x20] =	vst v2  }
0xa4: {  	[tilespmem:s22+$0xFFFFFFC0] =	vst v5  }
0xa5: {  	[hbm4b:s23+s11] =	stream.strided.scatter [tilespmem:s16], [sflag:$0x1], $0x1000, s12, s11, $0x38;
	[tilespmem:$0x1E700] =	vst v63  }
0xa6: {  	_ =	swait.ge [sflag:s18], $0x1000  }
0xa7: {  	[sflag:s18] =	ssyncset.done $0x0  }
0xa8: {  	s31 =	simm.s32 $0x1B770;
	[sflag:s18] =	ssyncadd.s32 $0xFFFFF000  }
0xa9: {  	v0 =	vld [tilespmem:s31+$0x0]  }
0xaa: {  	v1 =	vld [tilespmem:s31+$0xFFFFFFA0]  }
0xab: {  	v2 =	vld [tilespmem:s31+$0xFFFFFFB0]  }
0xac: {  	v3 =	vld [tilespmem:s31+$0xFFFFFFC0]  }
0xad: {  	v5 =	vld [tilespmem:s31+$0xFFFFFFD0]  }
0xae: {  	v6 =	vld [tilespmem:s31+$0xFFFFFFE0]  }
0xaf: {  	v7 =	vld [tilespmem:s31+$0xFFFFFFF0]  }
0xb0: {  	v8 =	vld [tilespmem:s31+$0xFFFFFF90]  }
0xb1: {  	v9 =	vld.idx.msk [tilespmem:v0+s5+$0x0], $0xffff  }
0xb2: {  	v10 =	vld.idx.msk [tilespmem:v1+s5+$0x0], $0xffff  }
0xb3: {  	v4 =	vld.idx.msk [tilespmem:v2+s5+$0x0], $0xffff  }
0xb4: {  	v3 =	vld.idx.msk [tilespmem:v3+s5+$0x0], $0xffff  }
0xb5: {  	v0 =	vld.idx.msk [tilespmem:v5+s5+$0x0], $0xffff  }
0xb6: {  	s22 =	simm.s32 $0x1D740;
	v1 =	vld.idx.msk [tilespmem:v6+s5+$0x0], $0xffff  }
0xb7: {  	v2 =	vld.idx.msk [tilespmem:v7+s5+$0x0], $0xffff;
	[tilespmem:s22+$0x30] =	vst v9  }
0xb8: {  	s21 =	sadd.s32 s21, s9;
	s24 =	simm.s32 $0x1B7F0;
	s23 =	simm.s32 $0x0;
	v5 =	vld.idx.msk [tilespmem:v8+s5+$0x0], $0xffff;
	[tilespmem:s22+$0xFFFFFFD0] =	vst v10  }
.LBB2_13:
0xb9: {  	v6 =	vld [tilespmem:s24+$0x0];
	s23 =	sadd.s32 $0x80, s23;
	[tilespmem:s22+$0xFFFFFFE0] =	vst v4  }
0xba: {  	v4 =	vld [tilespmem:s24+$0xFFFFFFA0];
	p0 =	slt.u32 s23, $0xF80;
	[tilespmem:s22+$0xFFFFFFF0] =	vst v3  }
0xbb: {  	v3 =	vld [tilespmem:s24+$0xFFFFFFB0];
	[tilespmem:s22+$0x0] =	vst v0  }
0xbc: {  	v0 =	vld [tilespmem:s24+$0xFFFFFFC0];
	[tilespmem:s22+$0x10] =	vst v1  }
0xbd: {  	v1 =	vld [tilespmem:s24+$0xFFFFFFD0];
	[tilespmem:s22+$0x20] =	vst v2  }
0xbe: {  	v2 =	vld [tilespmem:s24+$0xFFFFFFE0];
	[tilespmem:s22+$0xFFFFFFC0] =	vst v5  }
0xbf: {  	v5 =	vld [tilespmem:s24+$0xFFFFFFF0]  }
0xc0: {  	v7 =	vld [tilespmem:s24+$0xFFFFFF90]  }
0xc1: {  	v6 =	vld.idx.msk [tilespmem:v6+s5+$0x0], $0xffff  }
0xc2: {  	v8 =	vld.idx.msk [tilespmem:v4+s5+$0x0], $0xffff  }
0xc3: {  	v4 =	vld.idx.msk [tilespmem:v3+s5+$0x0], $0xffff  }
.Ltmp6:
0xc4: {  	v3 =	vld.idx.msk [tilespmem:v0+s5+$0x0], $0xffff;
	(pc) =	sbr.rel @p0 .LBB2_13-.Ltmp6, $4  }
0xc5: {  	v0 =	vld.idx.msk [tilespmem:v1+s5+$0x0], $0xffff  }
0xc6: {  	s22 =	sadd.s32 $0x80, s22;
	v1 =	vld.idx.msk [tilespmem:v2+s5+$0x0], $0xffff  }
0xc7: {  	v2 =	vld.idx.msk [tilespmem:v5+s5+$0x0], $0xffff;
	[tilespmem:s22+$0x30] =	vst v6  }
0xc8: {  	s24 =	sadd.s32 $0x80, s24;
	v5 =	vld.idx.msk [tilespmem:v7+s5+$0x0], $0xffff;
	[tilespmem:s22+$0xFFFFFFD0] =	vst v8  }
0xc9: {  	[tilespmem:s22+$0xFFFFFFE0] =	vst v4;
	s20 =	sadd.s32 $0x1, s20  }
0xca: {  	[tilespmem:s22+$0xFFFFFFF0] =	vst v3;
	p0 =	sne.s32 s20, $0xD  }
.Ltmp7:
0xcb: {  	[tilespmem:s22+$0x0] =	vst v0;
	(pc) =	sbr.rel @p0 .LBB2_2-.Ltmp7, $4  }
0xcc: {  	[tilespmem:s22+$0x10] =	vst v1  }
0xcd: {  	[tilespmem:s22+$0x20] =	vst v2  }
0xce: {  	[tilespmem:s22+$0xFFFFFFC0] =	vst v5  }
0xcf: {  	[hbm4b:s21+s11] =	stream.strided.scatter [tilespmem:s17], [sflag:$0x1], $0x1000, s12, s11, $0x38;
	[tilespmem:$0x1E700] =	vst v63  }
0xd0: {  	s19 =	sadd.s32 $0x1, s19  }
0xd1: {  	_ =	swait.ge [sflag:s18], $0x1000;
	p0 =	sne.s32 s19, s10  }
.Ltmp8:
0xd2: {  	[sflag:s18] =	ssyncset.done $0x0;
	(pc) =	sbr.rel @p0 .LBB2_1-.Ltmp8, $4  }
0xd3: {  	[sflag:s18] =	ssyncadd.s32 $0xFFFFF000  }
0xd4: {  	_ =	swait.ge [sflag:s18], $0x1000  }
0xd5: {  	[sflag:s18] =	ssyncset.done $0x0  }
0xd6: {  	[sflag:s18] =	ssyncadd.s32 $0xFFFFF000  }
0xd7: {  	_ =	sfence.sel $0x180000  }
0xd8: {  	[bflag:$0x0] =	sbarrier.arrive $0xFFFF  }
0xd9: {  	p0 =	sne.s32 s3, $0x0;
	_ =	strace $0x90000047  }
0xda: {  	s0 =	sadd.s32 @!p0 $0x100000, s0;
	[bflag:$0x2] =	sbarrier.arrive $0xFFFF  }
0xdb: {  	[sflag:s0] =	ssyncadd.tile.s32 @!p0 $0x1;
	_ =	shalt  }
.Lfunc_end2:
_tile_overlayer_lowered:
.L_overlay_start_2:
0xdc: {  	(tag) =	ssettag $0x2  }
0xdd: {  	s0 =	rddreg [dreg:$0x0];
	s2 =	stileid.u32  }
0xde: {  	s1 =	rddreg [dreg:$0x1];
	p0 =	sne.s32 s2, $0x0  }
0xdf: {  	s3 =	rddreg [dreg:$0x2];
	[bflag:$0x3] =	sbarrier.arrive $0xFFFF;
	s2 =	simm.s32 @!p0 $0x1C03  }
0xe0: {  	[timem:s3], [sflag:s2] =	dma.local @!p0 [hbm:s0], s1  }
0xe1: {  	s0 =	simm.s32 @!p0 $0x3  }
0xe2: {  	_ =	swait.ge @!p0 [sflag:s0], s1  }
0xe3: {  	s1 =	ssub.s32 @!p0 $0x0, s1;
	[sflag:s0] =	ssyncset.done @!p0 $0x0  }
0xe4: {  	[sflag:s0] =	ssyncadd.s32 @!p0 s1  }
0xe5: {  	[bflag:$0x3] =	sbarrier.arrive $0xFFFF  }
0xe6: {  	_ =	shalt  }

</sc_bundles>
